<compile_context>
chip_gen: v7x
topology: tpu7x:2x2x1
jax: 0.10.2.dev20260603
libtpu: 0.0.44.dev20260713+nightly
codegen_flags: <defaults>
</compile_context>

<pallas_src>
import functools

import jax
import jax.numpy as jnp
from jax import lax
from jax.experimental import pallas as pl
from jax.experimental.pallas import tpu as pltpu
from jax.experimental.pallas import tpu_sc as plsc

_D = 64
_B = 16384
_V = 100000
_NC = 2
_NS = 16
_NW = _NC * _NS
_BPW = _B // _NW
_PPW = _BPW // 2
_CH = 128
_NCH = _BPW // _CH
_TBLK = 14336



def _k1_body(x_ref, o_ref):
    eye = jnp.eye(_D, dtype=jnp.float32)
    o_ref[:, 0:_D] = jax.lax.dot_general(
        x_ref[...], eye, (((0,), (0,)), ((), ())),
        preferred_element_type=jnp.float32)


_k1 = pl.pallas_call(
    _k1_body,
    grid=((_V + _TBLK - 1) // _TBLK,),
    in_specs=[pl.BlockSpec((_D, _TBLK), lambda j: (0, j))],
    out_specs=pl.BlockSpec((_TBLK, 2 * _D), lambda j: (j, 0)),
    out_shape=jax.ShapeDtypeStruct((_V, 2 * _D), jnp.float32),
)



def _k2_body(rep_hbm, idx_hbm, table_hbm, out_hbm,
             idx_v, rows_v, rep_v, acc_v, sem_g, sem_r):
    c = lax.axis_index("c")
    s = lax.axis_index("s")
    wid = s * _NC + c
    base = wid * _BPW

    pltpu.sync_copy(idx_hbm.at[pl.ds(base, _BPW)], idx_v)
    rep_cp = pltpu.async_copy(rep_hbm.at[pl.ds(wid * _PPW, _PPW)], rep_v,
                              sem_r)
    gathers = []
    for j in range(_NCH):
        gathers.append(pltpu.async_copy(
            table_hbm.at[idx_v.at[pl.ds(j * _CH, _CH)]],
            rows_v.at[pl.ds(j * _CH, _CH)], sem_g))
    rep_cp.wait()
    for g in gathers:
        g.wait()

    nk = _D // 16

    def body(j, accs):
        new = list(accs)
        for k in range(nk):
            e0 = rows_v[2 * j, pl.ds(k * 16, 16)]
            r0 = rep_v[j, pl.ds(k * 16, 16)]
            d0 = e0 - r0
            e1 = rows_v[2 * j + 1, pl.ds(k * 16, 16)]
            r1 = rep_v[j, pl.ds(_D + k * 16, 16)]
            d1 = e1 - r1
            new[k] = new[k] + d0 * d0 + d1 * d1
        return tuple(new)

    zero = jnp.zeros((16,), jnp.float32)
    accs = lax.fori_loop(0, _PPW, body, (zero,) * nk)
    total = accs[0]
    for a in accs[1:]:
        total = total + a
    acc_v[...] = total * (1.0 / (_B * _D))
    pltpu.sync_copy(acc_v, out_hbm.at[wid])


@functools.partial(
    pl.kernel,
    out_type=jax.ShapeDtypeStruct((_NW, 16), jnp.float32),
    mesh=plsc.VectorSubcoreMesh(core_axis_name="c", subcore_axis_name="s"),
    compiler_params=pltpu.CompilerParams(use_tc_tiling_on_sc=True),
    scratch_types=[
        pltpu.VMEM((_BPW,), jnp.int32),
        pltpu.VMEM((_BPW, 2 * _D), jnp.float32),
        pltpu.VMEM((_PPW, 2 * _D), jnp.float32),
        pltpu.VMEM((16,), jnp.float32),
        pltpu.SemaphoreType.DMA,
        pltpu.SemaphoreType.DMA,
    ],
)
def _k2(rep_hbm, idx_hbm, table_hbm, out_hbm,
        idx_v, rows_v, rep_v, acc_v, sem_g, sem_r):
    _k2_body(rep_hbm, idx_hbm, table_hbm, out_hbm,
             idx_v, rows_v, rep_v, acc_v, sem_g, sem_r)


def kernel(rep, expr, emb_weight):
    table128 = _k1(emb_weight.T)
    partials = _k2(rep.reshape(_B // 2, 2 * _D), expr.astype(jnp.int32),
                   table128)
    return jnp.sum(partials)

# --- scband reference (transcript-rebuilt; emitter-appended) ---
"""Pipeline reference for scband-objective-50139448214049 (READ-ONLY COPY).

The authoritative reference and input builder live on the scoring server;
editing this copy changes nothing except your own understanding.
"""

import jax, jax.numpy as jnp
import numpy as np

VOCAB = 100000
EMBED_DIM = 64
BATCH = 16384

def setup_inputs(seed: int = 0) -> dict:
    key = jax.random.key(seed)
    k1, k2, k3 = jax.random.split(key, 3)
    rep = jax.random.normal(k1, (BATCH, EMBED_DIM), dtype=jnp.float32)
    expr = jax.random.randint(k2, (BATCH,), 0, VOCAB, dtype=jnp.int64)
    # learned embedding table (nn.Embedding default init ~ N(0,1))
    emb_weight = jax.random.normal(k3, (VOCAB, EMBED_DIM), dtype=jnp.float32)
    return {"rep": rep, "expr": expr, "emb_weight": emb_weight}

def reference(rep, expr, emb_weight):
    # expr is a tensor of token indices -> compose reduces to embedding lookup
    compositional_rep = jnp.take(emb_weight, expr, axis=0)
    # err_fn: mean squared error between compositional rep and target rep
    return jnp.mean((compositional_rep - rep) ** 2)

if __name__ == "__main__":
    import jax
    _d = setup_inputs()
    print(jax.jit(kernel)(*tuple(_d.values())))

</pallas_src>

<mosaic_0001>
#map = affine_map<(d0, d1) -> (0, 0)>
#map1 = affine_map<(d0, d1) -> (0)>
module attributes {stable_mosaic.version = 14 : i64} {
  func.func @_k2(%arg0: i32, %arg1: i32, %arg2: memref<8192x128xf32, #tpu.memory_space<hbm>>, %arg3: memref<16384xi32, #tpu.memory_space<hbm>>, %arg4: memref<100000x128xf32, #tpu.memory_space<hbm>>, %arg5: memref<32x16xf32, #tpu.memory_space<hbm>>, %arg6: memref<512xi32, #tpu.memory_space<vmem>>, %arg7: memref<512x128xf32, #tpu.memory_space<vmem>>, %arg8: memref<256x128xf32, #tpu.memory_space<vmem>>, %arg9: memref<16xf32, #tpu.memory_space<vmem>>, %arg10: memref<!tpu.dma_semaphore, #tpu.memory_space<semaphore_mem>>, %arg11: memref<!tpu.dma_semaphore, #tpu.memory_space<semaphore_mem>>) attributes {dimension_semantics = [#tpu.dimension_semantics<core_parallel>, #tpu.dimension_semantics<subcore_parallel>], iteration_bounds = array<i64: 2, 16>, scalar_prefetch = 0 : i64, scratch_operands = 6 : i64, tpu.core_type = #tpu.core_type<sc_vector_subcore>, window_params = [{transform_indices = #map}, {transform_indices = #map1}, {transform_indices = #map}, {transform_indices = #map}]} {
    %mul3A = arith.constant 2 : i32
    %mul3A_0 = arith.muli %arg1, %mul3A : i32
    %add3A = arith.addi %mul3A_0, %arg0 : i32
    %mul3A_1 = arith.constant 512 : i32
    %mul3A_2 = arith.muli %add3A, %mul3A_1 : i32
    "tpu.region"() ({
      %run_scoped3A = tpu.sem_alloc : memref<!tpu.dma_semaphore, #tpu.memory_space<semaphore_mem>>
      %dma_start3A_90 = tpu.memref_slice %arg3[%mul3A_2] : memref<16384xi32, #tpu.memory_space<hbm>> -> memref<512xi32, #tpu.memory_space<hbm>>
      %dma_start3A_91 = tpu.memref_slice %arg3[%mul3A_2] : memref<16384xi32, #tpu.memory_space<hbm>> -> memref<512xi32, #tpu.memory_space<hbm>>
      tpu.enqueue_dma source(%dma_start3A_91 : memref<512xi32, #tpu.memory_space<hbm>>) target(%arg6 : memref<512xi32, #tpu.memory_space<vmem>>) target_semaphore(%run_scoped3A : memref<!tpu.dma_semaphore, #tpu.memory_space<semaphore_mem>>)
      %dma_wait3A_92 = tpu.memref_slice %arg3[%mul3A_2] : memref<16384xi32, #tpu.memory_space<hbm>> -> memref<512xi32, #tpu.memory_space<hbm>>
      %dma_wait3A_93 = tpu.memref_slice %arg3[%mul3A_2] : memref<16384xi32, #tpu.memory_space<hbm>> -> memref<512xi32, #tpu.memory_space<hbm>>
      tpu.wait_dma2 semaphore(%run_scoped3A : memref<!tpu.dma_semaphore, #tpu.memory_space<semaphore_mem>>) src(%dma_wait3A_93 : memref<512xi32, #tpu.memory_space<hbm>>) dst(%arg6 : memref<512xi32, #tpu.memory_space<vmem>>)
      tpu.yield
    }) : () -> ()
    %mul3A_3 = arith.constant 256 : i32
    %mul3A_4 = arith.muli %add3A, %mul3A_3 : i32
    %dma_start3A = arith.constant 0 : i32
    %dma_start3A_5 = tpu.memref_slice %arg2[%mul3A_4, %dma_start3A] : memref<8192x128xf32, #tpu.memory_space<hbm>> -> memref<256x128xf32, #tpu.memory_space<hbm>>
    %dma_start3A_6 = arith.constant 0 : i32
    %dma_start3A_7 = tpu.memref_slice %arg2[%mul3A_4, %dma_start3A_6] : memref<8192x128xf32, #tpu.memory_space<hbm>> -> memref<256x128xf32, #tpu.memory_space<hbm>>
    tpu.enqueue_dma source(%dma_start3A_7 : memref<256x128xf32, #tpu.memory_space<hbm>>) target(%arg8 : memref<256x128xf32, #tpu.memory_space<vmem>>) target_semaphore(%arg11 : memref<!tpu.dma_semaphore, #tpu.memory_space<semaphore_mem>>)
    %dma_start3A_8 = arith.constant 0 : i32
    %dma_start3A_9 = arith.constant 0 : i32
    %dma_start3A_10 = tpu.memref_slice %arg7[%dma_start3A_8, %dma_start3A_9] : memref<512x128xf32, #tpu.memory_space<vmem>> -> memref<128x128xf32, #tpu.memory_space<vmem>>
    %dma_start3A_11 = arith.constant 0 : i32
    %dma_start3A_12 = tpu.memref_slice %arg6[%dma_start3A_11] : memref<512xi32, #tpu.memory_space<vmem>> -> memref<128xi32, #tpu.memory_space<vmem>>
    %dma_start3A_13 = arith.constant 0 : i32
    %dma_start3A_14 = arith.constant 0 : i32
    %dma_start3A_15 = tpu.memref_slice %arg4[%dma_start3A_13, %dma_start3A_14] : memref<100000x128xf32, #tpu.memory_space<hbm>> -> memref<100000x128xf32, #tpu.memory_space<hbm>>
    tpu.enqueue_indirect_dma source(%dma_start3A_15 : memref<100000x128xf32, #tpu.memory_space<hbm>>) target(%dma_start3A_10 : memref<128x128xf32, #tpu.memory_space<vmem>>) offsets(%dma_start3A_12 : memref<128xi32, #tpu.memory_space<vmem>>) semaphore(%arg10 : memref<!tpu.dma_semaphore, #tpu.memory_space<semaphore_mem>>)
    %dma_start3A_16 = arith.constant 128 : i32
    %dma_start3A_17 = arith.constant 0 : i32
    %dma_start3A_18 = tpu.memref_slice %arg7[%dma_start3A_16, %dma_start3A_17] : memref<512x128xf32, #tpu.memory_space<vmem>> -> memref<128x128xf32, #tpu.memory_space<vmem>>
    %dma_start3A_19 = arith.constant 128 : i32
    %dma_start3A_20 = tpu.memref_slice %arg6[%dma_start3A_19] : memref<512xi32, #tpu.memory_space<vmem>> -> memref<128xi32, #tpu.memory_space<vmem>>
    %dma_start3A_21 = arith.constant 0 : i32
    %dma_start3A_22 = arith.constant 0 : i32
    %dma_start3A_23 = tpu.memref_slice %arg4[%dma_start3A_21, %dma_start3A_22] : memref<100000x128xf32, #tpu.memory_space<hbm>> -> memref<100000x128xf32, #tpu.memory_space<hbm>>
    tpu.enqueue_indirect_dma source(%dma_start3A_23 : memref<100000x128xf32, #tpu.memory_space<hbm>>) target(%dma_start3A_18 : memref<128x128xf32, #tpu.memory_space<vmem>>) offsets(%dma_start3A_20 : memref<128xi32, #tpu.memory_space<vmem>>) semaphore(%arg10 : memref<!tpu.dma_semaphore, #tpu.memory_space<semaphore_mem>>)
    %dma_start3A_24 = arith.constant 256 : i32
    %dma_start3A_25 = arith.constant 0 : i32
    %dma_start3A_26 = tpu.memref_slice %arg7[%dma_start3A_24, %dma_start3A_25] : memref<512x128xf32, #tpu.memory_space<vmem>> -> memref<128x128xf32, #tpu.memory_space<vmem>>
    %dma_start3A_27 = arith.constant 256 : i32
    %dma_start3A_28 = tpu.memref_slice %arg6[%dma_start3A_27] : memref<512xi32, #tpu.memory_space<vmem>> -> memref<128xi32, #tpu.memory_space<vmem>>
    %dma_start3A_29 = arith.constant 0 : i32
    %dma_start3A_30 = arith.constant 0 : i32
    %dma_start3A_31 = tpu.memref_slice %arg4[%dma_start3A_29, %dma_start3A_30] : memref<100000x128xf32, #tpu.memory_space<hbm>> -> memref<100000x128xf32, #tpu.memory_space<hbm>>
    tpu.enqueue_indirect_dma source(%dma_start3A_31 : memref<100000x128xf32, #tpu.memory_space<hbm>>) target(%dma_start3A_26 : memref<128x128xf32, #tpu.memory_space<vmem>>) offsets(%dma_start3A_28 : memref<128xi32, #tpu.memory_space<vmem>>) semaphore(%arg10 : memref<!tpu.dma_semaphore, #tpu.memory_space<semaphore_mem>>)
    %dma_start3A_32 = arith.constant 384 : i32
    %dma_start3A_33 = arith.constant 0 : i32
    %dma_start3A_34 = tpu.memref_slice %arg7[%dma_start3A_32, %dma_start3A_33] : memref<512x128xf32, #tpu.memory_space<vmem>> -> memref<128x128xf32, #tpu.memory_space<vmem>>
    %dma_start3A_35 = arith.constant 384 : i32
    %dma_start3A_36 = tpu.memref_slice %arg6[%dma_start3A_35] : memref<512xi32, #tpu.memory_space<vmem>> -> memref<128xi32, #tpu.memory_space<vmem>>
    %dma_start3A_37 = arith.constant 0 : i32
    %dma_start3A_38 = arith.constant 0 : i32
    %dma_start3A_39 = tpu.memref_slice %arg4[%dma_start3A_37, %dma_start3A_38] : memref<100000x128xf32, #tpu.memory_space<hbm>> -> memref<100000x128xf32, #tpu.memory_space<hbm>>
    tpu.enqueue_indirect_dma source(%dma_start3A_39 : memref<100000x128xf32, #tpu.memory_space<hbm>>) target(%dma_start3A_34 : memref<128x128xf32, #tpu.memory_space<vmem>>) offsets(%dma_start3A_36 : memref<128xi32, #tpu.memory_space<vmem>>) semaphore(%arg10 : memref<!tpu.dma_semaphore, #tpu.memory_space<semaphore_mem>>)
    %dma_wait3A = arith.constant 0 : i32
    %dma_wait3A_40 = tpu.memref_slice %arg2[%mul3A_4, %dma_wait3A] : memref<8192x128xf32, #tpu.memory_space<hbm>> -> memref<256x128xf32, #tpu.memory_space<hbm>>
    %dma_wait3A_41 = arith.constant 0 : i32
    %dma_wait3A_42 = tpu.memref_slice %arg2[%mul3A_4, %dma_wait3A_41] : memref<8192x128xf32, #tpu.memory_space<hbm>> -> memref<256x128xf32, #tpu.memory_space<hbm>>
    tpu.wait_dma2 semaphore(%arg11 : memref<!tpu.dma_semaphore, #tpu.memory_space<semaphore_mem>>) src(%dma_wait3A_42 : memref<256x128xf32, #tpu.memory_space<hbm>>) dst(%arg8 : memref<256x128xf32, #tpu.memory_space<vmem>>)
    %dma_wait3A_43 = arith.constant 0 : i32
    %dma_wait3A_44 = arith.constant 0 : i32
    %dma_wait3A_45 = tpu.memref_slice %arg7[%dma_wait3A_43, %dma_wait3A_44] : memref<512x128xf32, #tpu.memory_space<vmem>> -> memref<128x128xf32, #tpu.memory_space<vmem>>
    %dma_wait3A_46 = arith.constant 0 : i32
    %dma_wait3A_47 = tpu.memref_slice %arg6[%dma_wait3A_46] : memref<512xi32, #tpu.memory_space<vmem>> -> memref<128xi32, #tpu.memory_space<vmem>>
    %dma_wait3A_48 = arith.constant 0 : i32
    %dma_wait3A_49 = arith.constant 0 : i32
    %dma_wait3A_50 = tpu.memref_slice %arg4[%dma_wait3A_48, %dma_wait3A_49] : memref<100000x128xf32, #tpu.memory_space<hbm>> -> memref<100000x128xf32, #tpu.memory_space<hbm>>
    tpu.wait_indirect_dma semaphore(%arg10 : memref<!tpu.dma_semaphore, #tpu.memory_space<semaphore_mem>>) src(%dma_wait3A_50 : memref<100000x128xf32, #tpu.memory_space<hbm>>) dst(%dma_wait3A_45 : memref<128x128xf32, #tpu.memory_space<vmem>>)
    %dma_wait3A_51 = arith.constant 128 : i32
    %dma_wait3A_52 = arith.constant 0 : i32
    %dma_wait3A_53 = tpu.memref_slice %arg7[%dma_wait3A_51, %dma_wait3A_52] : memref<512x128xf32, #tpu.memory_space<vmem>> -> memref<128x128xf32, #tpu.memory_space<vmem>>
    %dma_wait3A_54 = arith.constant 128 : i32
    %dma_wait3A_55 = tpu.memref_slice %arg6[%dma_wait3A_54] : memref<512xi32, #tpu.memory_space<vmem>> -> memref<128xi32, #tpu.memory_space<vmem>>
    %dma_wait3A_56 = arith.constant 0 : i32
    %dma_wait3A_57 = arith.constant 0 : i32
    %dma_wait3A_58 = tpu.memref_slice %arg4[%dma_wait3A_56, %dma_wait3A_57] : memref<100000x128xf32, #tpu.memory_space<hbm>> -> memref<100000x128xf32, #tpu.memory_space<hbm>>
    tpu.wait_indirect_dma semaphore(%arg10 : memref<!tpu.dma_semaphore, #tpu.memory_space<semaphore_mem>>) src(%dma_wait3A_58 : memref<100000x128xf32, #tpu.memory_space<hbm>>) dst(%dma_wait3A_53 : memref<128x128xf32, #tpu.memory_space<vmem>>)
    %dma_wait3A_59 = arith.constant 256 : i32
    %dma_wait3A_60 = arith.constant 0 : i32
    %dma_wait3A_61 = tpu.memref_slice %arg7[%dma_wait3A_59, %dma_wait3A_60] : memref<512x128xf32, #tpu.memory_space<vmem>> -> memref<128x128xf32, #tpu.memory_space<vmem>>
    %dma_wait3A_62 = arith.constant 256 : i32
    %dma_wait3A_63 = tpu.memref_slice %arg6[%dma_wait3A_62] : memref<512xi32, #tpu.memory_space<vmem>> -> memref<128xi32, #tpu.memory_space<vmem>>
    %dma_wait3A_64 = arith.constant 0 : i32
    %dma_wait3A_65 = arith.constant 0 : i32
    %dma_wait3A_66 = tpu.memref_slice %arg4[%dma_wait3A_64, %dma_wait3A_65] : memref<100000x128xf32, #tpu.memory_space<hbm>> -> memref<100000x128xf32, #tpu.memory_space<hbm>>
    tpu.wait_indirect_dma semaphore(%arg10 : memref<!tpu.dma_semaphore, #tpu.memory_space<semaphore_mem>>) src(%dma_wait3A_66 : memref<100000x128xf32, #tpu.memory_space<hbm>>) dst(%dma_wait3A_61 : memref<128x128xf32, #tpu.memory_space<vmem>>)
    %dma_wait3A_67 = arith.constant 384 : i32
    %dma_wait3A_68 = arith.constant 0 : i32
    %dma_wait3A_69 = tpu.memref_slice %arg7[%dma_wait3A_67, %dma_wait3A_68] : memref<512x128xf32, #tpu.memory_space<vmem>> -> memref<128x128xf32, #tpu.memory_space<vmem>>
    %dma_wait3A_70 = arith.constant 384 : i32
    %dma_wait3A_71 = tpu.memref_slice %arg6[%dma_wait3A_70] : memref<512xi32, #tpu.memory_space<vmem>> -> memref<128xi32, #tpu.memory_space<vmem>>
    %dma_wait3A_72 = arith.constant 0 : i32
    %dma_wait3A_73 = arith.constant 0 : i32
    %dma_wait3A_74 = tpu.memref_slice %arg4[%dma_wait3A_72, %dma_wait3A_73] : memref<100000x128xf32, #tpu.memory_space<hbm>> -> memref<100000x128xf32, #tpu.memory_space<hbm>>
    tpu.wait_indirect_dma semaphore(%arg10 : memref<!tpu.dma_semaphore, #tpu.memory_space<semaphore_mem>>) src(%dma_wait3A_74 : memref<100000x128xf32, #tpu.memory_space<hbm>>) dst(%dma_wait3A_69 : memref<128x128xf32, #tpu.memory_space<vmem>>)
    %broadcast_in_dim3A = arith.constant 0.000000e+00 : f32
    %broadcast_in_dim3A_75 = vector.broadcast %broadcast_in_dim3A : f32 to vector<16xf32>
    %scan3A = arith.constant 0 : i32
    %scan3A_76 = arith.constant 256 : i32
    %scan3A_77 = arith.addi %scan3A, %scan3A_76 : i32
    %scan3A_78 = arith.constant 1 : i32
    %scan3A_79:4 = scf.for %scan3A_90 = %scan3A to %scan3A_77 step %scan3A_78 iter_args(%scan3A_91 = %broadcast_in_dim3A_75, %scan3A_92 = %broadcast_in_dim3A_75, %scan3A_93 = %broadcast_in_dim3A_75, %scan3A_94 = %broadcast_in_dim3A_75) -> (vector<16xf32>, vector<16xf32>, vector<16xf32>, vector<16xf32>)  : i32 {
      %mul3A_95 = arith.constant 2 : i32
      %mul3A_96 = arith.muli %mul3A_95, %scan3A_90 : i32
      %get3A = arith.index_cast %mul3A_96 : i32 to index
      %get3A_97 = arith.constant 0 : index
      %get3A_98 = tpu.vector_load %arg7[%get3A, %get3A_97] {strides = array<i32>} : memref<512x128xf32, #tpu.memory_space<vmem>>, vector<1x16xf32>,
      %get3A_99 = vector.shape_cast %get3A_98 : vector<1x16xf32> to vector<16xf32>
      %get3A_100 = arith.index_cast %scan3A_90 : i32 to index
      %get3A_101 = arith.constant 0 : index
      %get3A_102 = tpu.vector_load %arg8[%get3A_100, %get3A_101] {strides = array<i32>} : memref<256x128xf32, #tpu.memory_space<vmem>>, vector<1x16xf32>,
      %get3A_103 = vector.shape_cast %get3A_102 : vector<1x16xf32> to vector<16xf32>
      %sub3A = arith.subf %get3A_99, %get3A_103 : vector<16xf32>
      %mul3A_104 = arith.constant 2 : i32
      %mul3A_105 = arith.muli %mul3A_104, %scan3A_90 : i32
      %add3A_106 = arith.constant 1 : i32
      %add3A_107 = arith.addi %mul3A_105, %add3A_106 : i32
      %get3A_108 = arith.index_cast %add3A_107 : i32 to index
      %get3A_109 = arith.constant 0 : index
      %get3A_110 = tpu.vector_load %arg7[%get3A_108, %get3A_109] {strides = array<i32>} : memref<512x128xf32, #tpu.memory_space<vmem>>, vector<1x16xf32>,
      %get3A_111 = vector.shape_cast %get3A_110 : vector<1x16xf32> to vector<16xf32>
      %get3A_112 = arith.index_cast %scan3A_90 : i32 to index
      %get3A_113 = arith.constant 64 : index
      %get3A_114 = tpu.vector_load %arg8[%get3A_112, %get3A_113] {strides = array<i32>} : memref<256x128xf32, #tpu.memory_space<vmem>>, vector<1x16xf32>,
      %get3A_115 = vector.shape_cast %get3A_114 : vector<1x16xf32> to vector<16xf32>
      %sub3A_116 = arith.subf %get3A_111, %get3A_115 : vector<16xf32>
      %mul3A_117 = arith.mulf %sub3A, %sub3A : vector<16xf32>
      %add3A_118 = arith.addf %scan3A_91, %mul3A_117 : vector<16xf32>
      %mul3A_119 = arith.mulf %sub3A_116, %sub3A_116 : vector<16xf32>
      %add3A_120 = arith.addf %add3A_118, %mul3A_119 : vector<16xf32>
      %mul3A_121 = arith.constant 2 : i32
      %mul3A_122 = arith.muli %mul3A_121, %scan3A_90 : i32
      %get3A_123 = arith.index_cast %mul3A_122 : i32 to index
      %get3A_124 = arith.constant 16 : index
      %get3A_125 = tpu.vector_load %arg7[%get3A_123, %get3A_124] {strides = array<i32>} : memref<512x128xf32, #tpu.memory_space<vmem>>, vector<1x16xf32>,
      %get3A_126 = vector.shape_cast %get3A_125 : vector<1x16xf32> to vector<16xf32>
      %get3A_127 = arith.index_cast %scan3A_90 : i32 to index
      %get3A_128 = arith.constant 16 : index
      %get3A_129 = tpu.vector_load %arg8[%get3A_127, %get3A_128] {strides = array<i32>} : memref<256x128xf32, #tpu.memory_space<vmem>>, vector<1x16xf32>,
      %get3A_130 = vector.shape_cast %get3A_129 : vector<1x16xf32> to vector<16xf32>
      %sub3A_131 = arith.subf %get3A_126, %get3A_130 : vector<16xf32>
      %mul3A_132 = arith.constant 2 : i32
      %mul3A_133 = arith.muli %mul3A_132, %scan3A_90 : i32
      %add3A_134 = arith.constant 1 : i32
      %add3A_135 = arith.addi %mul3A_133, %add3A_134 : i32
      %get3A_136 = arith.index_cast %add3A_135 : i32 to index
      %get3A_137 = arith.constant 16 : index
      %get3A_138 = tpu.vector_load %arg7[%get3A_136, %get3A_137] {strides = array<i32>} : memref<512x128xf32, #tpu.memory_space<vmem>>, vector<1x16xf32>,
      %get3A_139 = vector.shape_cast %get3A_138 : vector<1x16xf32> to vector<16xf32>
      %get3A_140 = arith.index_cast %scan3A_90 : i32 to index
      %get3A_141 = arith.constant 80 : index
      %get3A_142 = tpu.vector_load %arg8[%get3A_140, %get3A_141] {strides = array<i32>} : memref<256x128xf32, #tpu.memory_space<vmem>>, vector<1x16xf32>,
      %get3A_143 = vector.shape_cast %get3A_142 : vector<1x16xf32> to vector<16xf32>
      %sub3A_144 = arith.subf %get3A_139, %get3A_143 : vector<16xf32>
      %mul3A_145 = arith.mulf %sub3A_131, %sub3A_131 : vector<16xf32>
      %add3A_146 = arith.addf %scan3A_92, %mul3A_145 : vector<16xf32>
      %mul3A_147 = arith.mulf %sub3A_144, %sub3A_144 : vector<16xf32>
      %add3A_148 = arith.addf %add3A_146, %mul3A_147 : vector<16xf32>
      %mul3A_149 = arith.constant 2 : i32
      %mul3A_150 = arith.muli %mul3A_149, %scan3A_90 : i32
      %get3A_151 = arith.index_cast %mul3A_150 : i32 to index
      %get3A_152 = arith.constant 32 : index
      %get3A_153 = tpu.vector_load %arg7[%get3A_151, %get3A_152] {strides = array<i32>} : memref<512x128xf32, #tpu.memory_space<vmem>>, vector<1x16xf32>,
      %get3A_154 = vector.shape_cast %get3A_153 : vector<1x16xf32> to vector<16xf32>
      %get3A_155 = arith.index_cast %scan3A_90 : i32 to index
      %get3A_156 = arith.constant 32 : index
      %get3A_157 = tpu.vector_load %arg8[%get3A_155, %get3A_156] {strides = array<i32>} : memref<256x128xf32, #tpu.memory_space<vmem>>, vector<1x16xf32>,
      %get3A_158 = vector.shape_cast %get3A_157 : vector<1x16xf32> to vector<16xf32>
      %sub3A_159 = arith.subf %get3A_154, %get3A_158 : vector<16xf32>
      %mul3A_160 = arith.constant 2 : i32
      %mul3A_161 = arith.muli %mul3A_160, %scan3A_90 : i32
      %add3A_162 = arith.constant 1 : i32
      %add3A_163 = arith.addi %mul3A_161, %add3A_162 : i32
      %get3A_164 = arith.index_cast %add3A_163 : i32 to index
      %get3A_165 = arith.constant 32 : index
      %get3A_166 = tpu.vector_load %arg7[%get3A_164, %get3A_165] {strides = array<i32>} : memref<512x128xf32, #tpu.memory_space<vmem>>, vector<1x16xf32>,
      %get3A_167 = vector.shape_cast %get3A_166 : vector<1x16xf32> to vector<16xf32>
      %get3A_168 = arith.index_cast %scan3A_90 : i32 to index
      %get3A_169 = arith.constant 96 : index
      %get3A_170 = tpu.vector_load %arg8[%get3A_168, %get3A_169] {strides = array<i32>} : memref<256x128xf32, #tpu.memory_space<vmem>>, vector<1x16xf32>,
      %get3A_171 = vector.shape_cast %get3A_170 : vector<1x16xf32> to vector<16xf32>
      %sub3A_172 = arith.subf %get3A_167, %get3A_171 : vector<16xf32>
      %mul3A_173 = arith.mulf %sub3A_159, %sub3A_159 : vector<16xf32>
      %add3A_174 = arith.addf %scan3A_93, %mul3A_173 : vector<16xf32>
      %mul3A_175 = arith.mulf %sub3A_172, %sub3A_172 : vector<16xf32>
      %add3A_176 = arith.addf %add3A_174, %mul3A_175 : vector<16xf32>
      %mul3A_177 = arith.constant 2 : i32
      %mul3A_178 = arith.muli %mul3A_177, %scan3A_90 : i32
      %get3A_179 = arith.index_cast %mul3A_178 : i32 to index
      %get3A_180 = arith.constant 48 : index
      %get3A_181 = tpu.vector_load %arg7[%get3A_179, %get3A_180] {strides = array<i32>} : memref<512x128xf32, #tpu.memory_space<vmem>>, vector<1x16xf32>,
      %get3A_182 = vector.shape_cast %get3A_181 : vector<1x16xf32> to vector<16xf32>
      %get3A_183 = arith.index_cast %scan3A_90 : i32 to index
      %get3A_184 = arith.constant 48 : index
      %get3A_185 = tpu.vector_load %arg8[%get3A_183, %get3A_184] {strides = array<i32>} : memref<256x128xf32, #tpu.memory_space<vmem>>, vector<1x16xf32>,
      %get3A_186 = vector.shape_cast %get3A_185 : vector<1x16xf32> to vector<16xf32>
      %sub3A_187 = arith.subf %get3A_182, %get3A_186 : vector<16xf32>
      %mul3A_188 = arith.constant 2 : i32
      %mul3A_189 = arith.muli %mul3A_188, %scan3A_90 : i32
      %add3A_190 = arith.constant 1 : i32
      %add3A_191 = arith.addi %mul3A_189, %add3A_190 : i32
      %get3A_192 = arith.index_cast %add3A_191 : i32 to index
      %get3A_193 = arith.constant 48 : index
      %get3A_194 = tpu.vector_load %arg7[%get3A_192, %get3A_193] {strides = array<i32>} : memref<512x128xf32, #tpu.memory_space<vmem>>, vector<1x16xf32>,
      %get3A_195 = vector.shape_cast %get3A_194 : vector<1x16xf32> to vector<16xf32>
      %get3A_196 = arith.index_cast %scan3A_90 : i32 to index
      %get3A_197 = arith.constant 112 : index
      %get3A_198 = tpu.vector_load %arg8[%get3A_196, %get3A_197] {strides = array<i32>} : memref<256x128xf32, #tpu.memory_space<vmem>>, vector<1x16xf32>,
      %get3A_199 = vector.shape_cast %get3A_198 : vector<1x16xf32> to vector<16xf32>
      %sub3A_200 = arith.subf %get3A_195, %get3A_199 : vector<16xf32>
      %mul3A_201 = arith.mulf %sub3A_187, %sub3A_187 : vector<16xf32>
      %add3A_202 = arith.addf %scan3A_94, %mul3A_201 : vector<16xf32>
      %mul3A_203 = arith.mulf %sub3A_200, %sub3A_200 : vector<16xf32>
      %add3A_204 = arith.addf %add3A_202, %mul3A_203 : vector<16xf32>
      scf.yield %add3A_120, %add3A_148, %add3A_176, %add3A_204 : vector<16xf32>, vector<16xf32>, vector<16xf32>, vector<16xf32>
    }
    %scan3A_80 = arith.constant 256 : i32
    %add3A_81 = arith.addf %scan3A_79#0, %scan3A_79#1 : vector<16xf32>
    %add3A_82 = arith.addf %add3A_81, %scan3A_79#2 : vector<16xf32>
    %add3A_83 = arith.addf %add3A_82, %scan3A_79#3 : vector<16xf32>
    %mul3A_84 = arith.constant 9.53674316E-7 : f32
    %mul3A_85 = vector.broadcast %mul3A_84 : f32 to vector<16xf32>
    %mul3A_86 = arith.mulf %add3A_83, %mul3A_85 : vector<16xf32>
    %swap3A = arith.constant 0 : index
    %swap3A_87 = tpu.vector_load %arg9[%swap3A] {strides = array<i32>} : memref<16xf32, #tpu.memory_space<vmem>>, vector<16xf32>,
    %swap3A_88 = vector.shape_cast %swap3A_87 : vector<16xf32> to vector<16xf32>
    %swap3A_89 = vector.shape_cast %mul3A_86 : vector<16xf32> to vector<16xf32>
    tpu.vector_store %arg9[%swap3A], %swap3A_89 {strides = array<i32>} : memref<16xf32, #tpu.memory_space<vmem>>, vector<16xf32>,
    "tpu.region"() ({
      %run_scoped3A = tpu.sem_alloc : memref<!tpu.dma_semaphore, #tpu.memory_space<semaphore_mem>>
      %dma_start3A_90 = arith.constant 0 : i32
      %dma_start3A_91 = tpu.memref_slice %arg5[%add3A, %dma_start3A_90] : memref<32x16xf32, #tpu.memory_space<hbm>> -> memref<1x16xf32, #tpu.memory_space<hbm>>
      %dma_start3A_92 = tpu.memref_squeeze %dma_start3A_91 : memref<1x16xf32, #tpu.memory_space<hbm>> -> memref<16xf32, #tpu.memory_space<hbm>>
      %dma_start3A_93 = arith.constant 0 : i32
      %dma_start3A_94 = tpu.memref_slice %arg5[%add3A, %dma_start3A_93] : memref<32x16xf32, #tpu.memory_space<hbm>> -> memref<1x16xf32, #tpu.memory_space<hbm>>
      %dma_start3A_95 = tpu.memref_squeeze %dma_start3A_94 : memref<1x16xf32, #tpu.memory_space<hbm>> -> memref<16xf32, #tpu.memory_space<hbm>>
      tpu.enqueue_dma source(%arg9 : memref<16xf32, #tpu.memory_space<vmem>>) target(%dma_start3A_95 : memref<16xf32, #tpu.memory_space<hbm>>) target_semaphore(%run_scoped3A : memref<!tpu.dma_semaphore, #tpu.memory_space<semaphore_mem>>)
      %dma_wait3A_96 = arith.constant 0 : i32
      %dma_wait3A_97 = tpu.memref_slice %arg5[%add3A, %dma_wait3A_96] : memref<32x16xf32, #tpu.memory_space<hbm>> -> memref<1x16xf32, #tpu.memory_space<hbm>>
      %dma_wait3A_98 = tpu.memref_squeeze %dma_wait3A_97 : memref<1x16xf32, #tpu.memory_space<hbm>> -> memref<16xf32, #tpu.memory_space<hbm>>
      %dma_wait3A_99 = arith.constant 0 : i32
      %dma_wait3A_100 = tpu.memref_slice %arg5[%add3A, %dma_wait3A_99] : memref<32x16xf32, #tpu.memory_space<hbm>> -> memref<1x16xf32, #tpu.memory_space<hbm>>
      %dma_wait3A_101 = tpu.memref_squeeze %dma_wait3A_100 : memref<1x16xf32, #tpu.memory_space<hbm>> -> memref<16xf32, #tpu.memory_space<hbm>>
      tpu.wait_dma2 semaphore(%run_scoped3A : memref<!tpu.dma_semaphore, #tpu.memory_space<semaphore_mem>>) src(%arg9 : memref<16xf32, #tpu.memory_space<vmem>>) dst(%dma_wait3A_101 : memref<16xf32, #tpu.memory_space<hbm>>)
      tpu.yield
    }) : () -> ()
    return
  }
}

module attributes {stable_mosaic.version = 14 : i64} {
  func.func @_k1_body(%arg0: i32, %arg1: memref<64x14336xf32, #tpu.memory_space<vmem>>, %arg2: memref<14336x128xf32, #tpu.memory_space<vmem>>) attributes {dimension_semantics = [#tpu.dimension_semantics<arbitrary>], iteration_bounds = array<i64: 7>, scalar_prefetch = 0 : i64, scratch_operands = 0 : i64, tpu.core_type = #tpu.core_type<tc>, window_params = [{transform_indices = @transform_0, window_bounds = array<i64: 64, 14336>}, {transform_indices = @transform_1, window_bounds = array<i64: 14336, 128>}]} {
    %iota3A = tpu.iota {dimensions = array<i32: 0>} : vector<64x64xi32>
    %iota3A_0 = tpu.iota {dimensions = array<i32: 1>} : vector<64x64xi32>
    %add3A = arith.constant 0 : i32
    %add3A_1 = vector.broadcast %add3A : i32 to vector<64x64xi32>
    %add3A_2 = arith.addi %iota3A, %add3A_1 : vector<64x64xi32>
    %eq3A = arith.cmpi eq, %add3A_2, %iota3A_0 : vector<64x64xi32>
    %convert_element_type3A = arith.extui %eq3A : vector<64x64xi1> to vector<64x64xi32>
    %convert_element_type3A_3 = arith.sitofp %convert_element_type3A : vector<64x64xi32> to vector<64x64xf32>
    %get3A = arith.constant 0 : index
    %get3A_4 = arith.constant 0 : index
    %get3A_5 = vector.load %arg1[%get3A, %get3A_4] : memref<64x14336xf32, #tpu.memory_space<vmem>>, vector<64x14336xf32>
    %dot_general3A = arith.constant dense<0.000000e+00> : vector<14336x64xf32>
    %dot_general3A_6 = tpu.matmul %get3A_5, %convert_element_type3A_3, %dot_general3A {dimension_numbers = #tpu.dot_dimension_numbers<[0], [0], [1], [1], [0, 1, 1, 1], [], []>, transpose_lhs_hint = false} : vector<64x14336xf32>, vector<64x64xf32>, vector<14336x64xf32> -> vector<14336x64xf32>
    %swap3A = arith.constant 0 : index
    %swap3A_7 = arith.constant 0 : index
    %swap3A_8 = vector.load %arg2[%swap3A, %swap3A_7] : memref<14336x128xf32, #tpu.memory_space<vmem>>, vector<14336x64xf32>
    tpu.vector_store %arg2[%swap3A, %swap3A_7], %dot_general3A_6 {strides = array<i32>} : memref<14336x128xf32, #tpu.memory_space<vmem>>, vector<14336x64xf32>,
    return
  }
  func.func @transform_0(%arg0: i32) -> (i32, i32) {
    %c0_i32 = arith.constant 0 : i32
    %c0_i32_0 = arith.constant 0 : i32
    return %c0_i32, %arg0 : i32, i32
  }
  func.func @transform_1(%arg0: i32) -> (i32, i32) {
    %c0_i32 = arith.constant 0 : i32
    %c0_i32_0 = arith.constant 0 : i32
    return %arg0, %c0_i32 : i32, i32
  }
}

</mosaic_0001>

<sc_bundles>
// kernel: kernel.4.cloned.1.call-start
scs
__scs_entry_jumppad:
0x0: {  	(pc) =	sbr.rel $0x88, $3  }
0x1: {  	(tag) =	ssettag $0x0;
	lr =	simm.s32 $0x1  }
0x2: {  	[smem:$0x3F9E] =	sst lr;
	_ =	strace $0xD0000000  }
0x3: {  	_ = 	snop  }
0x4: {  	_ = 	snop  }
0x5: {  	_ = 	snop  }
0x6: {  	_ = 	snop  }
0x7: {  	_ = 	snop  }
__scs_overlays_trampoline_lowered:
0x8: {  	[smem:$0x3FAD] =	sst s0  }
0x9: {  	[smem:$0x3FAE] =	sst s1  }
0xa: {  	[smem:$0x3FAF] =	sst s2  }
0xb: {  	[smem:$0x3FB0] =	sst s3  }
0xc: {  	[smem:$0x3FB1] =	sst s4  }
0xd: {  	[smem:$0x3FB2] =	sst s5  }
0xe: {  	[smem:$0x3FB3] =	sst s6  }
0xf: {  	[smem:$0x3FB4] =	sst s7  }
0x10: {  	[smem:$0x3FB5] =	sst s8  }
0x11: {  	[smem:$0x3FB6] =	sst s9;
	s0 =	simm.s32 @!p0 $0x0  }
0x12: {  	s1 =	sld [smem:$0x3F9C];
	s0 =	simm.s32 @p0 $0x1  }
0x13: {  	[smem:$0x3FB7] =	sst s0;
	s0 =	simm.s32 @!p1 $0x0  }
0x14: {  	s2 =	sld [smem:$0x3F9B];
	s0 =	simm.s32 @p1 $0x1  }
0x15: {  	[smem:$0x3FB8] =	sst s0;
	s0 =	simm.s32 @!p2 $0x0  }
0x16: {  	s3 =	sld [smem:$0x3FDB];
	s0 =	simm.s32 @p2 $0x1  }
0x17: {  	s4 =	simm.s32 $0x1BF5;
	[smem:$0x3FBA] =	sst s0  }
0x18: {  	s0 =	sld [smem:$0x3F9D];
	_ =	swait.ge [sflag:s4], $0x0  }
0x19: {  	s7 =	sld [smem:$0x3F9E]  }
0x1a: {  	s8 =	sadd.s32 $0xFFFFE003, lr  }
0x1b: {  	s9 =	sadd.s32 $0xFFFFFEF7, lr;
	s5 =	simm.s32 $0xFFFFFFFF;
	p2 =	slt.u32 s8, $0xFFFFF086  }
0x1c: {  	p1 =	slt.u32 s9, $0xF7A;
	s5 =	simm.s32 @!p2 $0x0  }
0x1d: {  	s5 =	simm.s32 @p1 $0x1;
	p0 =	seq.s32 s7, s2  }
0x1e: {  	s7 =	smul.u32 @!p0 $0xF7A, s2;
	p2 =	seq.s32 @!p0 s5, $0x0  }
0x1f: {  	s9 =	smul.u32 $0xF7A, s1;
	s8 =	simm.s32 @!p0 $0x1BF5;
	p2 =	por !p2, p0  }
0x20: {  	[sflag:s8] =	ssyncset.s32 @!p0 $0xFFFFF086;
	s6 =	sadd.s32 @!p0 s3, s7;
	s7 =	simm.s32 @!p0 $0x108  }
0x21: {  	s3 =	sadd.s32 s3, s9;
	s6 =	sadd.s32 @!p0 $0x88, s6;
	s7 =	simm.s32 @p2 $0x1082  }
0x22: {  	[simem:s7], [sflag:s8] =	dma.local @!p0 [hbm:s6], $0xF7A  }
0x23: {  	s9 =	sor.u32 $0xD0000000, s2;
	s6 =	simm.s32 $0x108;
	_ =	swait.ge @!p0 [sflag:s8], $0x0  }
0x24: {  	s3 =	sadd.s32 $0x88, s3;
	s6 =	simm.s32 @!p1 $0x1082;
	[sflag:s4] =	ssyncset.s32 $0xFFFFF086  }
0x25: {  	[simem:s6], [sflag:s4] =	dma.local [hbm:s3], $0xF7A  }
0x26: {  	[smem:$0x3F9E] =	sst s1;
	(tag) =	ssettag s2;
	_ =	strace s9  }
0x27: {  	s1 =	sld [smem:$0x3FAE]  }
0x28: {  	s2 =	sld [smem:$0x3FAF]  }
0x29: {  	s4 =	sld [smem:$0x3FB1]  }
0x2a: {  	p0 =	seq.s32 s5, $0x0;
	s5 =	sld [smem:$0x3FB2]  }
0x2b: {  	s6 =	sld [smem:$0x3FB3]  }
0x2c: {  	s7 =	sld [smem:$0x3FB4]  }
0x2d: {  	s3 =	simm.s32 $0x108;
	s8 =	sld [smem:$0x3FB5]  }
0x2e: {  	s3 =	simm.s32 @!p0 $0x1082;
	s9 =	sld [smem:$0x3FB6]  }
0x2f: {  	lr =	sadd.s32 s0, s3;
	s0 =	sld [smem:$0x3FAD]  }
0x30: {  	s3 =	sld [smem:$0x3FB0]  }
0x31: {  	[smem:$0x3FB9] =	sst s10  }
0x32: {  	s10 =	sld [smem:$0x3FB7];
	_ =	sdelay $0x3  }
0x33: {  	p0 =	seq.s32 s10, $0x1;
	s10 =	sld [smem:$0x3FB9];
	_ =	sdelay $0x3  }
0x34: {  	[smem:$0x3FB9] =	sst s10  }
0x35: {  	s10 =	sld [smem:$0x3FB8];
	_ =	sdelay $0x3  }
0x36: {  	p1 =	seq.s32 s10, $0x1;
	s10 =	sld [smem:$0x3FB9];
	_ =	sdelay $0x3  }
0x37: {  	[smem:$0x3FB9] =	sst s10  }
0x38: {  	s10 =	sld [smem:$0x3FBA]  }
0x39: {  	_ = 	snop;
	(pc) =	sbr.ind lr, $3  }
0x3a: {  	_ = 	snop  }
0x3b: {  	_ = 	snop  }
0x3c: {  	p2 =	seq.s32 s10, $0x1;
	s10 =	sld [smem:$0x3FB9]  }
0x3d: {  	_ =	shalt  }
0x3e: {  	_ =	shalt  }
0x3f: {  	_ =	shalt  }
0x40: {  	_ =	shalt  }
0x41: {  	_ =	shalt  }
0x42: {  	_ =	shalt  }
0x43: {  	_ =	shalt  }
0x44: {  	_ =	shalt  }
0x45: {  	_ =	shalt  }
0x46: {  	_ =	shalt  }
0x47: {  	_ =	shalt  }
0x48: {  	_ =	shalt  }
0x49: {  	_ =	shalt  }
0x4a: {  	_ =	shalt  }
0x4b: {  	_ =	shalt  }
0x4c: {  	_ =	shalt  }
0x4d: {  	_ =	shalt  }
0x4e: {  	_ =	shalt  }
0x4f: {  	_ =	shalt  }
0x50: {  	_ =	shalt  }
0x51: {  	_ =	shalt  }
0x52: {  	_ =	shalt  }
0x53: {  	_ =	shalt  }
0x54: {  	_ =	shalt  }
0x55: {  	_ =	shalt  }
0x56: {  	_ =	shalt  }
0x57: {  	_ =	shalt  }
0x58: {  	_ =	shalt  }
0x59: {  	_ =	shalt  }
0x5a: {  	_ =	shalt  }
0x5b: {  	_ =	shalt  }
0x5c: {  	_ =	shalt  }
0x5d: {  	_ =	shalt  }
0x5e: {  	_ =	shalt  }
0x5f: {  	_ =	shalt  }
0x60: {  	_ =	shalt  }
0x61: {  	_ =	shalt  }
0x62: {  	_ =	shalt  }
0x63: {  	_ =	shalt  }
0x64: {  	_ =	shalt  }
0x65: {  	_ =	shalt  }
0x66: {  	_ =	shalt  }
0x67: {  	_ =	shalt  }
0x68: {  	_ =	shalt  }
0x69: {  	_ =	shalt  }
0x6a: {  	_ =	shalt  }
0x6b: {  	_ =	shalt  }
0x6c: {  	_ =	shalt  }
0x6d: {  	_ =	shalt  }
0x6e: {  	_ =	shalt  }
0x6f: {  	_ =	shalt  }
0x70: {  	_ =	shalt  }
0x71: {  	_ =	shalt  }
0x72: {  	_ =	shalt  }
0x73: {  	_ =	shalt  }
0x74: {  	_ =	shalt  }
0x75: {  	_ =	shalt  }
0x76: {  	_ =	shalt  }
0x77: {  	_ =	shalt  }
0x78: {  	_ =	shalt  }
0x79: {  	_ =	shalt  }
0x7a: {  	_ =	shalt  }
0x7b: {  	_ =	shalt  }
0x7c: {  	_ =	shalt  }
0x7d: {  	_ =	shalt  }
0x7e: {  	_ =	shalt  }
0x7f: {  	_ =	shalt  }
0x80: {  	_ =	shalt  }
0x81: {  	_ =	shalt  }
0x82: {  	_ =	shalt  }
0x83: {  	_ =	shalt  }
0x84: {  	_ =	shalt  }
0x85: {  	_ =	shalt  }
0x86: {  	_ =	shalt  }
0x87: {  	_ =	shalt  }
.Lfunc_end0:
.L_simem_size_0:
called_computation_lowered:
.L_overlay_start_0:
0x88: {  	s2 =	sld [smem:$0x3FD9]  }
0x89: {  	s3 =	sld [smem:$0x3FFE];
	_ =	sdelay $0x1  }
0x8a: {  	s1 =	srdreg.scid  }
0x8b: {  	s0 =	sand.u32 $0x1, s1  }
0x8c: {  	s17 =	sshll.u32 s0, $0xA;
	s2 =	sadd.s32 s3, s2  }
0x8d: {  	s2 =	sadd.s32 s2, s17  }
0x8e: {  	[smem:$0x3FC5] =	sst s2  }
0x8f: {  	_ = 	snop  }
0x90: {  	s2 =	sld [smem:$0x3FC8];
	(tm) =	ssettm $0x1  }
0x91: {  	s18 =	sld [smem:$0x3FFB];
	_ =	sdelay $0x3  }
0x92: {  	_ =	strace s18  }
0x93: {  	s3 =	sld [smem:$0x3FFC];
	_ =	sdelay $0x3  }
0x94: {  	_ =	strace s3  }
0x95: {  	s3 =	sld [smem:$0x3FFD];
	_ =	sdelay $0x3  }
0x96: {  	_ =	strace s3  }
0x97: {  	_ =	strace $0x8FFFFFFF  }
0x98: {  	s19 =	sld [smem:$0x3FDB];
	_ =	sdelay $0x1  }
0x99: {  	s4 =	simm.s32 $_scs_section_size  }
0x9a: {  	s5 =	simm.s32 $_size__tile_overlayer_lowered;
	s6 =	simm.s32 $_tile_overlayer_lowered  }
0x9b: {  	s22 =	simm.s32 $0x1BFF;
	s21 =	sshll.u32 s6, $0x1;
	s3 =	sadd.s32 s4, s19  }
0x9c: {  	s7 =	simm.s32 $0x0;
	s20 =	sshll.u32 s5, $0x1;
	s5 =	sadd.s32 s21, s3  }
0x9d: {  	[timem:s7], [sflag:s22] =	dma.local [hbm:s5], s20  }
0x9e: {  	_ =	swait.ge [sflag:s22], s20  }
0x9f: {  	s4 =	ssub.s32 $0x0, s20;
	[sflag:s22] =	ssyncset.done $0x0  }
0xa0: {  	[sflag:s22] =	ssyncadd.s32 s4;
	_ =	sdelay $0x1  }
0xa1: {  	s23 =	simm.s32 $0x1B8B  }
0xa2: {  	_ =	swait.ge [sflag:s23], $0x1  }
0xa3: {  	[sflag:s23] =	ssyncset.done $0x0  }
0xa4: {  	s25 =	simm.s32 $0x1B8E;
	s24 =	sld [smem:$0x3FFE];
	[sflag:s23] =	ssyncadd.s32 $0xFFFFFFFF  }
0xa5: {  	s26 =	simm.s32 $execute0_lowered;
	[smem:$0x3FD2] =	sst s25  }
0xa6: {  	s5 =	sshll.u32 s26, $0x1;
	_ =	strace $0x80000046;
	[dreg:$0x1] =	wrdreg $0xFFFFFFFF  }
0xa7: {  	s28 =	simm.s32 $_size_execute0_lowered;
	s3 =	sadd.s32 s3, s5;
	[dreg:$0x0] =	wrdreg $0x0  }
0xa8: {  	s5 =	sshll.u32 s28, $0x1;
	[dreg:$0x2] =	wrdreg s3  }
0xa9: {  	[dreg:$0x3] =	wrdreg s5  }
0xaa: {  	[dreg:$0x4] =	wrdreg $0xC0  }
0xab: {  	_ =	task [dreg:s7], $0x5FFFF  }
0xac: {  	[dreg:$0x1] =	wrdreg $0xFFFFFFFF  }
0xad: {  	[dreg:$0x0] =	wrdreg $0x60  }
0xae: {  	[dreg:$0x2] =	wrdreg s24  }
0xaf: {  	[dreg:$0x3] =	wrdreg s2  }
0xb0: {  	[dreg:$0x4] =	wrdreg $0x9  }
0xb1: {  	_ =	task.clear_ibuf [dreg:s7], $0x5FFFF;
	_ =	strace $0x90000046  }
0xb2: {  	s29 =	simm.s32 $0x9;
	_ =	strace $0x80000048  }
0xb3: {  	_ =	swait.ge [sflag:s29], $0x1  }
0xb4: {  	[sflag:s29] =	ssyncadd.s32 $0xFFFFFFFF  }
0xb5: {  	_ =	strace $0x90000048  }
0xb6: {  	_ =	sfence  }
0xb7: {  	s30 =	sld [smem:$0x0];
	_ =	sdelay $0x2  }
0xb8: {  	s31 =	sshll.u32 s1, $0xD;
	s1 =	sshrl.u32 s1, $0x2  }
0xb9: {  	s3 =	sand.u32 $0x4000, s31;
	s1 =	sadd.s32 s1, s30  }
0xba: {  	s0 =	sor.u32 s3, s0;
	s1 =	sshll.u32 s1, $0x11  }
0xbb: {  	s0 =	sor.u32 s1, s0  }
0xbc: {  	s0 =	sadd.s32 $0x8F2B, s0  }
0xbd: {  	[sflag:s0] =	ssyncadd.remote.s32 $0x1  }
0xbe: {  	_ =	sfence.sel $0xFFFF  }
0xbf: {  	[dreg:$0x0] =	wrdreg $0xFFFFFFFF;
	(pc) =	sbr.abs _section_cstart, $3  }
0xc0: {  	[dreg:$0x1] =	wrdreg $0xFFFFFFFF  }
0xc1: {  	_ =	task.clear_ibuf [dreg:s7], $0x2FFFF;
	_ =	strace $0x9FFFFFFF  }
0xc2: {  	(tm) =	ssettm $0x7FFFFFFF  }
0xc3: {  	_ =	shalt  }
tec
execute0_lowered:
.L_overlay_start_1:
0x0: {  	(tag) =	ssettag $0x1  }
0x1: {  	s5 =	rddreg [dreg:$0x0]  }
0x2: {  	s4 =	rddreg [dreg:$0x1]  }
0x3: {  	s0 =	rddreg [dreg:$0x2]  }
0x4: {  	s3 =	srdreg.scid;
	s1 =	stileid.u32;
	s2 =	simm.s32 $0x0  }
0x5: {  	s11 =	simm.s32 $0x200;
	s12 =	simm.s32 $0x4200;
	s13 =	simm.s32 $0x100  }
0x6: {  	s14 =	simm.s32 $0x8200;
	s15 =	simm.s32 $0x180;
	s16 =	simm.s32 $0xC200  }
0x7: {  	s17 =	simm.s32 $0x2;
	s18 =	simm.s32 $0x1;
	s19 =	simm.s32 $0x18200  }
0x8: {  	s20 =	simm.s32 $0x0;
	s6 =	sand.u32 $0x1, s3;
	s31 =	sshll.u32 s1, $0x1  }
0x9: {  	[smem:$0x7FF] =	sst s2;
	s3 =	sadd.s32 $0x20000, s5;
	s7 =	sor.u32 s6, s31  }
0xa: {  	_ =	strace $0x80000047;
	s6 =	ssub.s32 $0x2, s6;
	s8 =	sshll.u32 s7, $0x4  }
0xb: {  	s9 =	sshrl.u32 s6, $0x1;
	s10 =	sshll.u32 s7, $0x6;
	s7 =	sshll.u32 s7, $0xC  }
0xc: {  	s8 =	sadd.s32 s8, s5;
	s9 =	ssub.s32 s6, s9;
	s4 =	sadd.s32 s4, s10  }
0xd: {  	s5 =	sadd.s32 s5, s7;
	s10 =	simm.s32 $0x80;
	s6 =	sadd.s32 $0x1A6A00, s8  }
0xe: {  	s7 =	smax.u32 s9, $0x1;
	s8 =	simm.s32 $0x3;
	s9 =	simm.s32 $0x10200  }
.LBB2_1:
0xf: {  	[tilespmem:s2], [sflag:$0x3] =	stream.linear.gather [hbm4b:s4+s2], $0x200, $0x38;
	[tilespmem:$0x18280] =	vst v63  }
0x10: {  	_ =	swait.ge [sflag:s8], $0x200  }
0x11: {  	[sflag:s8] =	ssyncset.done $0x0  }
0x12: {  	[sflag:s8] =	ssyncadd.s32 $0xFFFFFE00  }
0x13: {  	[tilespmem:s9], [sflag:$0x2] =	stream.linear.gather [hbm4b:s5+s2], $0x8000, $0x38;
	[tilespmem:$0x18280] =	vst v63  }
0x14: {  	_ = 	snop  }
0x15: {  	[tilespmem:s11], [sflag:$0x1] =	stream.indirect.gather [hbm4b:s3+s10], $0x80, s2, s10, $0xb8;
	[tilespmem:$0x18280] =	vst v63  }
0x16: {  	_ = 	snop  }
0x17: {  	[tilespmem:s12], [sflag:$0x1] =	stream.indirect.gather [hbm4b:s3+s10], $0x80, s10, s10, $0xb8;
	[tilespmem:$0x18280] =	vst v63  }
0x18: {  	_ = 	snop  }
0x19: {  	[tilespmem:s14], [sflag:$0x1] =	stream.indirect.gather [hbm4b:s3+s10], $0x80, s13, s10, $0xb8;
	[tilespmem:$0x18280] =	vst v63  }
0x1a: {  	_ = 	snop  }
0x1b: {  	[tilespmem:s16], [sflag:$0x1] =	stream.indirect.gather [hbm4b:s3+s10], $0x80, s15, s10, $0xb8;
	[tilespmem:$0x18280] =	vst v63  }
0x1c: {  	_ =	swait.ge [sflag:s17], $0x8000  }
0x1d: {  	[sflag:s17] =	ssyncset.done $0x0  }
0x1e: {  	[sflag:s17] =	ssyncadd.s32 $0xFFFF8000  }
0x1f: {  	_ =	swait.ge [sflag:s18], $0x4000  }
0x20: {  	[sflag:s18] =	ssyncset.done $0x0  }
0x21: {  	[sflag:s18] =	ssyncadd.s32 $0xFFFFC000  }
0x22: {  	_ =	swait.ge [sflag:s18], $0x4000  }
0x23: {  	[sflag:s18] =	ssyncset.done $0x0  }
0x24: {  	[sflag:s18] =	ssyncadd.s32 $0xFFFFC000  }
0x25: {  	_ =	swait.ge [sflag:s18], $0x4000  }
0x26: {  	[sflag:s18] =	ssyncset.done $0x0  }
0x27: {  	[sflag:s18] =	ssyncadd.s32 $0xFFFFC000  }
0x28: {  	_ =	swait.ge [sflag:s18], $0x4000  }
0x29: {  	[sflag:s18] =	ssyncset.done $0x0  }
0x2a: {  	s21 =	simm.s32 $0x10240;
	[sflag:s18] =	ssyncadd.s32 $0xFFFFC000  }
0x2b: {  	v1 =	vld [tilespmem:s21+$0x0]  }
0x2c: {  	v0 =	vld [tilespmem:s21+$0x10]  }
0x2d: {  	v6 =	vld [tilespmem:s21+$0x20]  }
0x2e: {  	s22 =	simm.s32 $0x0;
	v4 =	vld [tilespmem:s21+$0x30]  }
0x2f: {  	v9 =	vld [tilespmem:s22+$0x280]  }
0x30: {  	v8 =	vld [tilespmem:s22+$0x290]  }
0x31: {  	v10 =	vld [tilespmem:s21+$0xFFFFFFC0]  }
0x32: {  	v11 =	vld [tilespmem:s21+$0xFFFFFFD0]  }
0x33: {  	v13 =	vld [tilespmem:s21+$0xFFFFFFE0]  }
0x34: {  	v12 =	vld [tilespmem:s21+$0xFFFFFFF0]  }
0x35: {  	v15 =	vld [tilespmem:s22+$0x200]  }
0x36: {  	v3 =	vimm.f32 $0.0e+00;
	v14 =	vld [tilespmem:s22+$0x210]  }
0x37: {  	s23 =	simm.s32 $0x400;
	v7 =	vimm.f32 $0.0e+00;
	v5 =	vimm.f32 $0.0e+00;
	v2 =	vimm.f32 $0.0e+00;
	v16 =	vld [tilespmem:s22+$0x220]  }
.LBB2_2:
0x38: {  	p0 =	sne.s32 s23, $0x3FC00;
	v17 =	vld [tilespmem:s22+$0x230]  }
0x39: {  	v18 =	vld [tilespmem:s22+$0x2A0]  }
0x3a: {  	v9 =	vsub.f32 v9, v1;
	s21 =	sadd.s32 $0x80, s21;
	v19 =	vld [tilespmem:s22+$0x2B0]  }
0x3b: {  	v8 =	vsub.f32 v8, v0;
	v10 =	vsub.f32 v15, v10;
	v1 =	vld [tilespmem:s21+$0x0]  }
0x3c: {  	v11 =	vsub.f32 v14, v11;
	v0 =	vld [tilespmem:s21+$0x10];
	v13 =	vsub.f32 v16, v13  }
0x3d: {  	v15 =	vmul.f32 v9, v9;
	v16 =	vmul.f32 v8, v8;
	v14 =	vld [tilespmem:s21+$0x20];
	v8 =	vsub.f32 v17, v12  }
0x3e: {  	s22 =	sshra.s32 s23, $0x2;
	v10 =	vmul.f32 v10, v10;
	v11 =	vmul.f32 v11, v11;
	v12 =	vld [tilespmem:s21+$0x30];
	v6 =	vsub.f32 v18, v6  }
0x3f: {  	v13 =	vmul.f32 v13, v13;
	v9 =	vld [tilespmem:s22+$0x280];
	v4 =	vsub.f32 v19, v4;
	v17 =	vmul.f32 v8, v8  }
0x40: {  	v3 =	vadd.f32 v10, v3;
	v7 =	vadd.f32 v11, v7;
	v8 =	vld [tilespmem:s22+$0x290];
	v18 =	vmul.f32 v6, v6  }
0x41: {  	v5 =	vadd.f32 v13, v5;
	v10 =	vld [tilespmem:s21+$0xFFFFFFC0];
	v2 =	vadd.f32 v17, v2;
	v17 =	vmul.f32 v4, v4  }
0x42: {  	v3 =	vadd.f32 v15, v3;
	v7 =	vadd.f32 v16, v7;
	v11 =	vld [tilespmem:s21+$0xFFFFFFD0];
	v6 =	vmov v14  }
.Ltmp0:
0x43: {  	v5 =	vadd.f32 v18, v5;
	v13 =	vld [tilespmem:s21+$0xFFFFFFE0];
	v2 =	vadd.f32 v17, v2;
	v4 =	vmov v12;
	(pc) =	sbr.rel @p0 .LBB2_2-.Ltmp0, $4  }
0x44: {  	v12 =	vld [tilespmem:s21+$0xFFFFFFF0]  }
0x45: {  	v15 =	vld [tilespmem:s22+$0x200]  }
0x46: {  	v14 =	vld [tilespmem:s22+$0x210]  }
0x47: {  	s23 =	sadd.s32 $0x400, s23;
	v16 =	vld [tilespmem:s22+$0x220]  }
0x48: {  	v17 =	vld [tilespmem:s22+$0x230]  }
0x49: {  	v18 =	vld [tilespmem:s22+$0x2A0]  }
0x4a: {  	v1 =	vsub.f32 v9, v1  }
0x4b: {  	v55 =	vld [tilespmem:s22+$0x2B0];
	v10 =	vsub.f32 v15, v10;
	v11 =	vsub.f32 v14, v11  }
0x4c: {  	v1 =	vmul.f32 v1, v1;
	v13 =	vsub.f32 v16, v13  }
0x4d: {  	v0 =	vsub.f32 v8, v0;
	v56 =	vmul.f32 v10, v10;
	v57 =	vmul.f32 v11, v11  }
0x4e: {  	v58 =	vsub.f32 v17, v12;
	v6 =	vsub.f32 v18, v6;
	v59 =	vmul.f32 v13, v13  }
0x4f: {  	v0 =	vmul.f32 v0, v0;
	v3 =	vadd.f32 v56, v3;
	v7 =	vadd.f32 v57, v7  }
0x50: {  	v4 =	vsub.f32 v55, v4;
	v60 =	vmul.f32 v58, v58;
	v5 =	vadd.f32 v59, v5  }
0x51: {  	v6 =	vmul.f32 v6, v6;
	v1 =	vadd.f32 v1, v3;
	v0 =	vadd.f32 v0, v7  }
0x52: {  	v2 =	vadd.f32 v60, v2  }
0x53: {  	v61 =	vmul.f32 v4, v4;
	v62 =	vadd.f32 v6, v5;
	v0 =	vadd.f32 v0, v1;
	_ =	sdelay $0x1  }
0x54: {  	v63 =	vadd.f32 v61, v2;
	v0 =	vadd.f32 v62, v0;
	_ =	sdelay $0x1  }
0x55: {  	v0 =	vadd.f32 v63, v0;
	_ =	sdelay $0x1  }
0x56: {  	s20 =	sadd.s32 $0x1, s20;
	v0 =	vmul.f32 $9.536743160e-07, v0  }
0x57: {  	p0 =	sne.s32 s20, s7  }
.Ltmp1:
0x58: {  	[tilespmem:$0x18200] =	vst v0;
	(pc) =	sbr.rel @p0 .LBB2_1-.Ltmp1, $4  }
0x59: {  	[hbm4b:s6+s2] =	stream.linear.scatter [tilespmem:s19], [sflag:$0x3], $0x80, $0x38;
	[tilespmem:$0x18280] =	vst v63  }
0x5a: {  	_ =	swait.ge [sflag:s8], $0x80  }
0x5b: {  	[sflag:s8] =	ssyncset.done $0x0  }
0x5c: {  	[sflag:s8] =	ssyncadd.s32 $0xFFFFFF80  }
0x5d: {  	_ =	sfence.sel $0x180000  }
0x5e: {  	[bflag:$0x0] =	sbarrier.arrive $0xFFFF  }
0x5f: {  	p0 =	sne.s32 s1, $0x0;
	_ =	strace $0x90000047  }
0x60: {  	s0 =	sadd.s32 @!p0 $0x100000, s0;
	[bflag:$0x2] =	sbarrier.arrive $0xFFFF  }
0x61: {  	[sflag:s0] =	ssyncadd.tile.s32 @!p0 $0x1;
	_ =	shalt  }
.Lfunc_end2:
_tile_overlayer_lowered:
.L_overlay_start_2:
0x62: {  	(tag) =	ssettag $0x2  }
0x63: {  	s0 =	rddreg [dreg:$0x0];
	s2 =	stileid.u32  }
0x64: {  	s1 =	rddreg [dreg:$0x1];
	p0 =	sne.s32 s2, $0x0  }
0x65: {  	s3 =	rddreg [dreg:$0x2];
	[bflag:$0x3] =	sbarrier.arrive $0xFFFF;
	s2 =	simm.s32 @!p0 $0x1C03  }
0x66: {  	[timem:s3], [sflag:s2] =	dma.local @!p0 [hbm:s0], s1  }
0x67: {  	s0 =	simm.s32 @!p0 $0x3  }
0x68: {  	_ =	swait.ge @!p0 [sflag:s0], s1  }
0x69: {  	s1 =	ssub.s32 @!p0 $0x0, s1;
	[sflag:s0] =	ssyncset.done @!p0 $0x0  }
0x6a: {  	[sflag:s0] =	ssyncadd.s32 @!p0 s1  }
0x6b: {  	[bflag:$0x3] =	sbarrier.arrive $0xFFFF  }
0x6c: {  	_ =	shalt  }

</sc_bundles>
